<compile_context>
chip_gen: v7x
topology: tpu7x:2x2x1
jax: 0.10.2.dev20260603
libtpu: 0.0.44.dev20260713+nightly
codegen_flags: <defaults>
</compile_context>

<pallas_src>
import functools

import jax
import jax.numpy as jnp
from jax import lax
from jax.experimental import pallas as pl
from jax.experimental.pallas import tpu as pltpu
from jax.experimental.pallas import tpu_sc as plsc

_B, _K, _V = 32, 8, 100000
_NC, _NS, _L = 2, 16, 16


def _sc_reject_body(tflat, dflat, ids16_hbm, u16_hbm, rt_hbm,
                    ids_v, u_v, tg_v, dg_v, res_v, sem_t, sem_d):
    b = lax.axis_index("s") * _NC + lax.axis_index("c")
    pltpu.sync_copy(ids16_hbm.at[b], ids_v)
    pltpu.sync_copy(u16_hbm.at[b], u_v)
    lane = lax.iota(jnp.int32, _L)
    valid = lane < _K
    ids = jnp.where(valid, ids_v[...], 0)
    tidx = jnp.where(valid, (b * (_K + 1) + lane) * _V + ids, 0)
    didx = jnp.where(valid, (b * _K + lane) * _V + ids, 0)
    cp_t = pltpu.async_copy(tflat.at[tidx], tg_v, sem_t)
    cp_d = pltpu.async_copy(dflat.at[didx], dg_v, sem_d)
    cp_t.wait()
    cp_d.wait()
    score = tg_v[...] / dg_v[...]
    rej = score < u_v[...]
    res_v[...] = jnp.where(rej, 1, 0).astype(jnp.int32)
    pltpu.sync_copy(res_v, rt_hbm.at[b])


@functools.cache
def _sc_reject():
    return pl.kernel(
        _sc_reject_body,
        mesh=plsc.VectorSubcoreMesh(core_axis_name="c", subcore_axis_name="s"),
        out_type=jax.ShapeDtypeStruct((_B, _L), jnp.int32),
        scratch_types=[
            pltpu.VMEM((_L,), jnp.int32),
            pltpu.VMEM((_L,), jnp.float32),
            pltpu.VMEM((_L,), jnp.float32),
            pltpu.VMEM((_L,), jnp.float32),
            pltpu.VMEM((_L,), jnp.int32),
            pltpu.SemaphoreType.DMA,
            pltpu.SemaphoreType.DMA,
        ],
    )


def _first_reject(rj_ref, b):
    r = jnp.int32(_K)
    for k in range(_K - 1, -1, -1):
        r = jnp.where(rj_ref[b, k] != 0, jnp.int32(k), r)
    return r


def _tc_sample_body(rj_ref, t_ref, d_ref, g_ref, ids_ref, o_ref):
    b = pl.program_id(0)
    r = _first_reject(rj_ref, b)
    is_bonus = r == _K
    t = t_ref[...]
    d = d_ref[...]
    adj = jnp.where(is_bonus, t, jnp.maximum(t - d, 0.0))
    s = jnp.where(is_bonus, jnp.float32(1.0), jnp.maximum(jnp.sum(adj), 1e-5))
    p = adj / s
    val = jnp.log(jnp.maximum(p, 1e-20)) + g_ref[...]
    m = jnp.max(val)
    vidx = lax.broadcasted_iota(jnp.int32, val.shape, 3)
    aid = jnp.min(jnp.where(val == m, vidx, _V)).astype(jnp.int32)
    pos = lax.broadcasted_iota(jnp.int32, (1, 1, _K + 1), 2)
    o_ref[...] = jnp.where(pos < r, ids_ref[...], jnp.where(pos == r, aid, -1))


def kernel(target_probs, draft_probs, draft_token_ids):
    rkey = jax.random.key(42)
    u = jax.random.uniform(rkey, (_B, _K), dtype=jnp.float32)
    g = jax.random.gumbel(jax.random.fold_in(rkey, 1), (_B, _V), jnp.float32)

    ids16 = jnp.zeros((_B, _L), jnp.int32).at[:, :_K].set(draft_token_ids)
    u16 = jnp.zeros((_B, _L), jnp.float32).at[:, :_K].set(u)
    rejbits = _sc_reject()(target_probs.reshape(-1), draft_probs.reshape(-1),
                           ids16, u16)

    ids9 = jnp.concatenate(
        [draft_token_ids, jnp.full((_B, 1), -1, jnp.int32)], axis=1
    ).reshape(_B, 1, _K + 1)
    grid_spec = pltpu.PrefetchScalarGridSpec(
        num_scalar_prefetch=1,
        grid=(_B,),
        in_specs=[
            pl.BlockSpec((1, 1, 1, _V),
                         lambda b, rj: (b, _first_reject(rj, b), 0, 0)),
            pl.BlockSpec((1, 1, 1, _V),
                         lambda b, rj: (b, jnp.minimum(_first_reject(rj, b),
                                                       _K - 1), 0, 0)),
            pl.BlockSpec((1, 1, 1, _V), lambda b, rj: (b, 0, 0, 0)),
            pl.BlockSpec((1, 1, _K + 1), lambda b, rj: (b, 0, 0)),
        ],
        out_specs=pl.BlockSpec((1, 1, _K + 1), lambda b, rj: (b, 0, 0)),
    )
    out3 = pl.pallas_call(
        _tc_sample_body,
        grid_spec=grid_spec,
        out_shape=jax.ShapeDtypeStruct((_B, 1, _K + 1), jnp.int32),
    )(rejbits, target_probs.reshape(_B, _K + 1, 1, _V),
      draft_probs.reshape(_B, _K, 1, _V), g.reshape(_B, 1, 1, _V), ids9)
    return out3.reshape(_B, _K + 1)

# --- scband reference (transcript-rebuilt; emitter-appended) ---
"""Pipeline reference for scband-rejection-sampler-1322849927624 (READ-ONLY COPY).

The authoritative reference and input builder live on the scoring server;
editing this copy changes nothing except your own understanding.
"""

import jax, jax.numpy as jnp
import numpy as np

B, K, V = 32, 8, 100000

def setup_inputs(seed: int = 0):
    key = jax.random.key(seed)
    k1, k2, k3 = jax.random.split(key, 3)
    target_probs = jax.random.uniform(k1, (B, K + 1, V), dtype=jnp.float32)
    target_probs = target_probs / target_probs.sum(-1, keepdims=True)
    draft_probs = jax.random.uniform(k2, (B, K, V), dtype=jnp.float32)
    draft_probs = draft_probs / draft_probs.sum(-1, keepdims=True)
    draft_token_ids = jax.random.randint(k3, (B, K), 0, V, dtype=jnp.int32)
    return {"target_probs": target_probs, "draft_probs": draft_probs, "draft_token_ids": draft_token_ids}

def reference(target_probs, draft_probs, draft_token_ids):
    b, k, v = draft_probs.shape
    target_probs_without_bonus = target_probs[:, :-1]
    bidx = jnp.arange(b)[:, None]
    pidx = jnp.arange(k)[None, :]
    draft_token_probs = draft_probs[bidx, pidx, draft_token_ids]
    target_token_probs = target_probs_without_bonus[bidx, pidx, draft_token_ids]
    scores = target_token_probs / draft_token_probs
    rkey = jax.random.key(42)
    random_uniform = jax.random.uniform(rkey, (b, k), dtype=scores.dtype)
    rejected = scores < random_uniform
    rejected_mask = jnp.cumsum(rejected.astype(jnp.int32), axis=-1) > 0
    accepted_mask = ~rejected_mask
    rejected_mask_full = jnp.concatenate([rejected_mask, jnp.ones((b, 1), dtype=bool)], axis=-1)
    reject_idx = jnp.argmax(rejected_mask_full.astype(jnp.float32), axis=-1)
    adjusted_probs = jnp.clip(target_probs_without_bonus - draft_probs, 0.0, None)
    adjusted_probs = adjusted_probs / jnp.clip(adjusted_probs.sum(-1, keepdims=True), 1e-5, None)
    adjusted_probs = jnp.concatenate([adjusted_probs, target_probs[:, -1:]], axis=1)
    adjusted_sel = adjusted_probs[jnp.arange(b), reject_idx]
    skey = jax.random.fold_in(rkey, 1)
    logits = jnp.log(jnp.clip(adjusted_sel, 1e-20, None))
    adjusted_token_ids = jax.random.categorical(skey, logits, axis=-1).astype(draft_token_ids.dtype)
    out = jnp.full((b, k + 1), -1, dtype=draft_token_ids.dtype)
    out = out.at[:, :k].set(jnp.where(accepted_mask, draft_token_ids, -1))
    out = out.at[jnp.arange(b), reject_idx].set(adjusted_token_ids)
    return out

if __name__ == "__main__":
    import jax
    _d = setup_inputs()
    print(jax.jit(kernel)(*tuple(_d.values())))

</pallas_src>

<mosaic_0001>
#map = affine_map<(d0, d1) -> (0)>
#map1 = affine_map<(d0, d1) -> (0, 0)>
module attributes {stable_mosaic.version = 14 : i64} {
  func.func @_sc_reject_body(%arg0: i32, %arg1: i32, %arg2: memref<28800000xf32, #tpu.memory_space<hbm>>, %arg3: memref<25600000xf32, #tpu.memory_space<hbm>>, %arg4: memref<32x16xi32, #tpu.memory_space<hbm>>, %arg5: memref<32x16xf32, #tpu.memory_space<hbm>>, %arg6: memref<32x16xi32, #tpu.memory_space<hbm>>, %arg7: memref<16xi32, #tpu.memory_space<vmem>>, %arg8: memref<16xf32, #tpu.memory_space<vmem>>, %arg9: memref<16xf32, #tpu.memory_space<vmem>>, %arg10: memref<16xf32, #tpu.memory_space<vmem>>, %arg11: memref<16xi32, #tpu.memory_space<vmem>>, %arg12: memref<!tpu.dma_semaphore, #tpu.memory_space<semaphore_mem>>, %arg13: memref<!tpu.dma_semaphore, #tpu.memory_space<semaphore_mem>>) attributes {dimension_semantics = [#tpu.dimension_semantics<core_parallel>, #tpu.dimension_semantics<subcore_parallel>], iteration_bounds = array<i64: 2, 16>, scalar_prefetch = 0 : i64, scratch_operands = 7 : i64, tpu.core_type = #tpu.core_type<sc_vector_subcore>, window_params = [{transform_indices = #map}, {transform_indices = #map}, {transform_indices = #map1}, {transform_indices = #map1}, {transform_indices = #map1}]} {
    %mul3A = arith.constant 2 : i32
    %mul3A_0 = arith.muli %arg1, %mul3A : i32
    %add3A = arith.addi %mul3A_0, %arg0 : i32
    "tpu.region"() ({
      %run_scoped3A = tpu.sem_alloc : memref<!tpu.dma_semaphore, #tpu.memory_space<semaphore_mem>>
      %dma_start3A_51 = arith.constant 0 : i32
      %dma_start3A_52 = tpu.memref_slice %arg4[%add3A, %dma_start3A_51] : memref<32x16xi32, #tpu.memory_space<hbm>> -> memref<1x16xi32, #tpu.memory_space<hbm>>
      %dma_start3A_53 = tpu.memref_squeeze %dma_start3A_52 : memref<1x16xi32, #tpu.memory_space<hbm>> -> memref<16xi32, #tpu.memory_space<hbm>>
      %dma_start3A_54 = arith.constant 0 : i32
      %dma_start3A_55 = tpu.memref_slice %arg4[%add3A, %dma_start3A_54] : memref<32x16xi32, #tpu.memory_space<hbm>> -> memref<1x16xi32, #tpu.memory_space<hbm>>
      %dma_start3A_56 = tpu.memref_squeeze %dma_start3A_55 : memref<1x16xi32, #tpu.memory_space<hbm>> -> memref<16xi32, #tpu.memory_space<hbm>>
      tpu.enqueue_dma source(%dma_start3A_56 : memref<16xi32, #tpu.memory_space<hbm>>) target(%arg7 : memref<16xi32, #tpu.memory_space<vmem>>) target_semaphore(%run_scoped3A : memref<!tpu.dma_semaphore, #tpu.memory_space<semaphore_mem>>)
      %dma_wait3A_57 = arith.constant 0 : i32
      %dma_wait3A_58 = tpu.memref_slice %arg4[%add3A, %dma_wait3A_57] : memref<32x16xi32, #tpu.memory_space<hbm>> -> memref<1x16xi32, #tpu.memory_space<hbm>>
      %dma_wait3A_59 = tpu.memref_squeeze %dma_wait3A_58 : memref<1x16xi32, #tpu.memory_space<hbm>> -> memref<16xi32, #tpu.memory_space<hbm>>
      %dma_wait3A_60 = arith.constant 0 : i32
      %dma_wait3A_61 = tpu.memref_slice %arg4[%add3A, %dma_wait3A_60] : memref<32x16xi32, #tpu.memory_space<hbm>> -> memref<1x16xi32, #tpu.memory_space<hbm>>
      %dma_wait3A_62 = tpu.memref_squeeze %dma_wait3A_61 : memref<1x16xi32, #tpu.memory_space<hbm>> -> memref<16xi32, #tpu.memory_space<hbm>>
      tpu.wait_dma2 semaphore(%run_scoped3A : memref<!tpu.dma_semaphore, #tpu.memory_space<semaphore_mem>>) src(%dma_wait3A_62 : memref<16xi32, #tpu.memory_space<hbm>>) dst(%arg7 : memref<16xi32, #tpu.memory_space<vmem>>)
      tpu.yield
    }) : () -> ()
    "tpu.region"() ({
      %run_scoped3A = tpu.sem_alloc : memref<!tpu.dma_semaphore, #tpu.memory_space<semaphore_mem>>
      %dma_start3A_51 = arith.constant 0 : i32
      %dma_start3A_52 = tpu.memref_slice %arg5[%add3A, %dma_start3A_51] : memref<32x16xf32, #tpu.memory_space<hbm>> -> memref<1x16xf32, #tpu.memory_space<hbm>>
      %dma_start3A_53 = tpu.memref_squeeze %dma_start3A_52 : memref<1x16xf32, #tpu.memory_space<hbm>> -> memref<16xf32, #tpu.memory_space<hbm>>
      %dma_start3A_54 = arith.constant 0 : i32
      %dma_start3A_55 = tpu.memref_slice %arg5[%add3A, %dma_start3A_54] : memref<32x16xf32, #tpu.memory_space<hbm>> -> memref<1x16xf32, #tpu.memory_space<hbm>>
      %dma_start3A_56 = tpu.memref_squeeze %dma_start3A_55 : memref<1x16xf32, #tpu.memory_space<hbm>> -> memref<16xf32, #tpu.memory_space<hbm>>
      tpu.enqueue_dma source(%dma_start3A_56 : memref<16xf32, #tpu.memory_space<hbm>>) target(%arg8 : memref<16xf32, #tpu.memory_space<vmem>>) target_semaphore(%run_scoped3A : memref<!tpu.dma_semaphore, #tpu.memory_space<semaphore_mem>>)
      %dma_wait3A_57 = arith.constant 0 : i32
      %dma_wait3A_58 = tpu.memref_slice %arg5[%add3A, %dma_wait3A_57] : memref<32x16xf32, #tpu.memory_space<hbm>> -> memref<1x16xf32, #tpu.memory_space<hbm>>
      %dma_wait3A_59 = tpu.memref_squeeze %dma_wait3A_58 : memref<1x16xf32, #tpu.memory_space<hbm>> -> memref<16xf32, #tpu.memory_space<hbm>>
      %dma_wait3A_60 = arith.constant 0 : i32
      %dma_wait3A_61 = tpu.memref_slice %arg5[%add3A, %dma_wait3A_60] : memref<32x16xf32, #tpu.memory_space<hbm>> -> memref<1x16xf32, #tpu.memory_space<hbm>>
      %dma_wait3A_62 = tpu.memref_squeeze %dma_wait3A_61 : memref<1x16xf32, #tpu.memory_space<hbm>> -> memref<16xf32, #tpu.memory_space<hbm>>
      tpu.wait_dma2 semaphore(%run_scoped3A : memref<!tpu.dma_semaphore, #tpu.memory_space<semaphore_mem>>) src(%dma_wait3A_62 : memref<16xf32, #tpu.memory_space<hbm>>) dst(%arg8 : memref<16xf32, #tpu.memory_space<vmem>>)
      tpu.yield
    }) : () -> ()
    %iota3A = tpu.iota {dimensions = array<i32: 0>} : vector<16xi32>
    %lt3A = arith.constant 8 : i32
    %lt3A_1 = vector.broadcast %lt3A : i32 to vector<16xi32>
    %lt3A_2 = arith.cmpi slt, %iota3A, %lt3A_1 : vector<16xi32>
    %get3A = arith.constant 0 : index
    %get3A_3 = tpu.vector_load %arg7[%get3A] {strides = array<i32>} : memref<16xi32, #tpu.memory_space<vmem>>, vector<16xi32>,
    %get3A_4 = vector.shape_cast %get3A_3 : vector<16xi32> to vector<16xi32>
    %jit3A = arith.constant 0 : i32
    %broadcast_in_dim3A = vector.broadcast %jit3A : i32 to vector<16xi32>
    %select_n3A = arith.select %lt3A_2, %get3A_4, %broadcast_in_dim3A : vector<16xi1>, vector<16xi32>
    %mul3A_5 = arith.constant 9 : i32
    %mul3A_6 = arith.muli %add3A, %mul3A_5 : i32
    %add3A_7 = vector.broadcast %mul3A_6 : i32 to vector<16xi32>
    %add3A_8 = arith.addi %add3A_7, %iota3A : vector<16xi32>
    %mul3A_9 = arith.constant 100000 : i32
    %mul3A_10 = vector.broadcast %mul3A_9 : i32 to vector<16xi32>
    %mul3A_11 = arith.muli %add3A_8, %mul3A_10 : vector<16xi32>
    %add3A_12 = arith.addi %mul3A_11, %select_n3A : vector<16xi32>
    %jit3A_13 = arith.constant 0 : i32
    %broadcast_in_dim3A_14 = vector.broadcast %jit3A_13 : i32 to vector<16xi32>
    %select_n3A_15 = arith.select %lt3A_2, %add3A_12, %broadcast_in_dim3A_14 : vector<16xi1>, vector<16xi32>
    %mul3A_16 = arith.constant 8 : i32
    %mul3A_17 = arith.muli %add3A, %mul3A_16 : i32
    %add3A_18 = vector.broadcast %mul3A_17 : i32 to vector<16xi32>
    %add3A_19 = arith.addi %add3A_18, %iota3A : vector<16xi32>
    %mul3A_20 = arith.constant 100000 : i32
    %mul3A_21 = vector.broadcast %mul3A_20 : i32 to vector<16xi32>
    %mul3A_22 = arith.muli %add3A_19, %mul3A_21 : vector<16xi32>
    %add3A_23 = arith.addi %mul3A_22, %select_n3A : vector<16xi32>
    %jit3A_24 = arith.constant 0 : i32
    %broadcast_in_dim3A_25 = vector.broadcast %jit3A_24 : i32 to vector<16xi32>
    %select_n3A_26 = arith.select %lt3A_2, %add3A_23, %broadcast_in_dim3A_25 : vector<16xi1>, vector<16xi32>
    %dma_start3A = arith.constant 0 : i32
    %dma_start3A_27 = tpu.memref_slice %arg2[%dma_start3A] : memref<28800000xf32, #tpu.memory_space<hbm>> -> memref<28800000xf32, #tpu.memory_space<hbm>>
    tpu.enqueue_indirect_dma source(%dma_start3A_27 : memref<28800000xf32, #tpu.memory_space<hbm>>) target(%arg9 : memref<16xf32, #tpu.memory_space<vmem>>) offsets(%select_n3A_15 : vector<16xi32>) semaphore(%arg12 : memref<!tpu.dma_semaphore, #tpu.memory_space<semaphore_mem>>)
    %dma_start3A_28 = arith.constant 0 : i32
    %dma_start3A_29 = tpu.memref_slice %arg3[%dma_start3A_28] : memref<25600000xf32, #tpu.memory_space<hbm>> -> memref<25600000xf32, #tpu.memory_space<hbm>>
    tpu.enqueue_indirect_dma source(%dma_start3A_29 : memref<25600000xf32, #tpu.memory_space<hbm>>) target(%arg10 : memref<16xf32, #tpu.memory_space<vmem>>) offsets(%select_n3A_26 : vector<16xi32>) semaphore(%arg13 : memref<!tpu.dma_semaphore, #tpu.memory_space<semaphore_mem>>)
    %dma_wait3A = arith.constant 0 : i32
    %dma_wait3A_30 = tpu.memref_slice %arg2[%dma_wait3A] : memref<28800000xf32, #tpu.memory_space<hbm>> -> memref<28800000xf32, #tpu.memory_space<hbm>>
    tpu.wait_indirect_dma semaphore(%arg12 : memref<!tpu.dma_semaphore, #tpu.memory_space<semaphore_mem>>) src(%dma_wait3A_30 : memref<28800000xf32, #tpu.memory_space<hbm>>) dst(%arg9 : memref<16xf32, #tpu.memory_space<vmem>>)
    %dma_wait3A_31 = arith.constant 0 : i32
    %dma_wait3A_32 = tpu.memref_slice %arg3[%dma_wait3A_31] : memref<25600000xf32, #tpu.memory_space<hbm>> -> memref<25600000xf32, #tpu.memory_space<hbm>>
    tpu.wait_indirect_dma semaphore(%arg13 : memref<!tpu.dma_semaphore, #tpu.memory_space<semaphore_mem>>) src(%dma_wait3A_32 : memref<25600000xf32, #tpu.memory_space<hbm>>) dst(%arg10 : memref<16xf32, #tpu.memory_space<vmem>>)
    %get3A_33 = arith.constant 0 : index
    %get3A_34 = tpu.vector_load %arg9[%get3A_33] {strides = array<i32>} : memref<16xf32, #tpu.memory_space<vmem>>, vector<16xf32>,
    %get3A_35 = vector.shape_cast %get3A_34 : vector<16xf32> to vector<16xf32>
    %get3A_36 = arith.constant 0 : index
    %get3A_37 = tpu.vector_load %arg10[%get3A_36] {strides = array<i32>} : memref<16xf32, #tpu.memory_space<vmem>>, vector<16xf32>,
    %get3A_38 = vector.shape_cast %get3A_37 : vector<16xf32> to vector<16xf32>
    %div3A = arith.divf %get3A_35, %get3A_38 : vector<16xf32>
    %get3A_39 = arith.constant 0 : index
    %get3A_40 = tpu.vector_load %arg8[%get3A_39] {strides = array<i32>} : memref<16xf32, #tpu.memory_space<vmem>>, vector<16xf32>,
    %get3A_41 = vector.shape_cast %get3A_40 : vector<16xf32> to vector<16xf32>
    %lt3A_42 = arith.cmpf olt, %div3A, %get3A_41 : vector<16xf32>
    %jit3A_43 = arith.constant 1 : i32
    %jit3A_44 = arith.constant 0 : i32
    %broadcast_in_dim3A_45 = vector.broadcast %jit3A_43 : i32 to vector<16xi32>
    %broadcast_in_dim3A_46 = vector.broadcast %jit3A_44 : i32 to vector<16xi32>
    %select_n3A_47 = arith.select %lt3A_42, %broadcast_in_dim3A_45, %broadcast_in_dim3A_46 : vector<16xi1>, vector<16xi32>
    %swap3A = arith.constant 0 : index
    %swap3A_48 = tpu.vector_load %arg11[%swap3A] {strides = array<i32>} : memref<16xi32, #tpu.memory_space<vmem>>, vector<16xi32>,
    %swap3A_49 = vector.shape_cast %swap3A_48 : vector<16xi32> to vector<16xi32>
    %swap3A_50 = vector.shape_cast %select_n3A_47 : vector<16xi32> to vector<16xi32>
    tpu.vector_store %arg11[%swap3A], %swap3A_50 {strides = array<i32>} : memref<16xi32, #tpu.memory_space<vmem>>, vector<16xi32>,
    "tpu.region"() ({
      %run_scoped3A = tpu.sem_alloc : memref<!tpu.dma_semaphore, #tpu.memory_space<semaphore_mem>>
      %dma_start3A_51 = arith.constant 0 : i32
      %dma_start3A_52 = tpu.memref_slice %arg6[%add3A, %dma_start3A_51] : memref<32x16xi32, #tpu.memory_space<hbm>> -> memref<1x16xi32, #tpu.memory_space<hbm>>
      %dma_start3A_53 = tpu.memref_squeeze %dma_start3A_52 : memref<1x16xi32, #tpu.memory_space<hbm>> -> memref<16xi32, #tpu.memory_space<hbm>>
      %dma_start3A_54 = arith.constant 0 : i32
      %dma_start3A_55 = tpu.memref_slice %arg6[%add3A, %dma_start3A_54] : memref<32x16xi32, #tpu.memory_space<hbm>> -> memref<1x16xi32, #tpu.memory_space<hbm>>
      %dma_start3A_56 = tpu.memref_squeeze %dma_start3A_55 : memref<1x16xi32, #tpu.memory_space<hbm>> -> memref<16xi32, #tpu.memory_space<hbm>>
      tpu.enqueue_dma source(%arg11 : memref<16xi32, #tpu.memory_space<vmem>>) target(%dma_start3A_56 : memref<16xi32, #tpu.memory_space<hbm>>) target_semaphore(%run_scoped3A : memref<!tpu.dma_semaphore, #tpu.memory_space<semaphore_mem>>)
      %dma_wait3A_57 = arith.constant 0 : i32
      %dma_wait3A_58 = tpu.memref_slice %arg6[%add3A, %dma_wait3A_57] : memref<32x16xi32, #tpu.memory_space<hbm>> -> memref<1x16xi32, #tpu.memory_space<hbm>>
      %dma_wait3A_59 = tpu.memref_squeeze %dma_wait3A_58 : memref<1x16xi32, #tpu.memory_space<hbm>> -> memref<16xi32, #tpu.memory_space<hbm>>
      %dma_wait3A_60 = arith.constant 0 : i32
      %dma_wait3A_61 = tpu.memref_slice %arg6[%add3A, %dma_wait3A_60] : memref<32x16xi32, #tpu.memory_space<hbm>> -> memref<1x16xi32, #tpu.memory_space<hbm>>
      %dma_wait3A_62 = tpu.memref_squeeze %dma_wait3A_61 : memref<1x16xi32, #tpu.memory_space<hbm>> -> memref<16xi32, #tpu.memory_space<hbm>>
      tpu.wait_dma2 semaphore(%run_scoped3A : memref<!tpu.dma_semaphore, #tpu.memory_space<semaphore_mem>>) src(%arg11 : memref<16xi32, #tpu.memory_space<vmem>>) dst(%dma_wait3A_62 : memref<16xi32, #tpu.memory_space<hbm>>)
      tpu.yield
    }) : () -> ()
    return
  }
}

module attributes {stable_mosaic.version = 14 : i64} {
  func.func @_tc_sample_body(%arg0: i32, %arg1: memref<32x16xi32, #tpu.memory_space<smem>>, %arg2: memref<1x1x1x100000xf32, #tpu.memory_space<vmem>>, %arg3: memref<1x1x1x100000xf32, #tpu.memory_space<vmem>>, %arg4: memref<1x1x1x100000xf32, #tpu.memory_space<vmem>>, %arg5: memref<1x1x9xi32, #tpu.memory_space<vmem>>, %arg6: memref<1x1x9xi32, #tpu.memory_space<vmem>>) attributes {dimension_semantics = [#tpu.dimension_semantics<arbitrary>], iteration_bounds = array<i64: 32>, scalar_prefetch = 1 : i64, scratch_operands = 0 : i64, tpu.core_type = #tpu.core_type<tc>, window_params = [{transform_indices = @transform_0, window_bounds = array<i64: 1, 1, 1, 100000>}, {transform_indices = @transform_1, window_bounds = array<i64: 1, 1, 1, 100000>}, {transform_indices = @transform_2, window_bounds = array<i64: 1, 1, 1, 100000>}, {transform_indices = @transform_3, window_bounds = array<i64: 1, 1, 9>}, {transform_indices = @transform_4, window_bounds = array<i64: 1, 1, 9>}]} {
    %get3A = arith.index_cast %arg0 : i32 to index
    %get3A_0 = arith.constant 7 : index
    %get3A_1 = memref.load %arg1[%get3A, %get3A_0] : memref<32x16xi32, #tpu.memory_space<smem>>
    %ne3A = arith.constant 0 : i32
    %ne3A_2 = arith.cmpi ne, %get3A_1, %ne3A : i32
    %jit3A = arith.constant 7 : i32
    %jit3A_3 = arith.constant 8 : i32
    %select_n3A = arith.select %ne3A_2, %jit3A, %jit3A_3 : i32
    %get3A_4 = arith.index_cast %arg0 : i32 to index
    %get3A_5 = arith.constant 6 : index
    %get3A_6 = memref.load %arg1[%get3A_4, %get3A_5] : memref<32x16xi32, #tpu.memory_space<smem>>
    %ne3A_7 = arith.constant 0 : i32
    %ne3A_8 = arith.cmpi ne, %get3A_6, %ne3A_7 : i32
    %jit3A_9 = arith.constant 6 : i32
    %select_n3A_10 = arith.select %ne3A_8, %jit3A_9, %select_n3A : i32
    %get3A_11 = arith.index_cast %arg0 : i32 to index
    %get3A_12 = arith.constant 5 : index
    %get3A_13 = memref.load %arg1[%get3A_11, %get3A_12] : memref<32x16xi32, #tpu.memory_space<smem>>
    %ne3A_14 = arith.constant 0 : i32
    %ne3A_15 = arith.cmpi ne, %get3A_13, %ne3A_14 : i32
    %jit3A_16 = arith.constant 5 : i32
    %select_n3A_17 = arith.select %ne3A_15, %jit3A_16, %select_n3A_10 : i32
    %get3A_18 = arith.index_cast %arg0 : i32 to index
    %get3A_19 = arith.constant 4 : index
    %get3A_20 = memref.load %arg1[%get3A_18, %get3A_19] : memref<32x16xi32, #tpu.memory_space<smem>>
    %ne3A_21 = arith.constant 0 : i32
    %ne3A_22 = arith.cmpi ne, %get3A_20, %ne3A_21 : i32
    %jit3A_23 = arith.constant 4 : i32
    %select_n3A_24 = arith.select %ne3A_22, %jit3A_23, %select_n3A_17 : i32
    %get3A_25 = arith.index_cast %arg0 : i32 to index
    %get3A_26 = arith.constant 3 : index
    %get3A_27 = memref.load %arg1[%get3A_25, %get3A_26] : memref<32x16xi32, #tpu.memory_space<smem>>
    %ne3A_28 = arith.constant 0 : i32
    %ne3A_29 = arith.cmpi ne, %get3A_27, %ne3A_28 : i32
    %jit3A_30 = arith.constant 3 : i32
    %select_n3A_31 = arith.select %ne3A_29, %jit3A_30, %select_n3A_24 : i32
    %get3A_32 = arith.index_cast %arg0 : i32 to index
    %get3A_33 = arith.constant 2 : index
    %get3A_34 = memref.load %arg1[%get3A_32, %get3A_33] : memref<32x16xi32, #tpu.memory_space<smem>>
    %ne3A_35 = arith.constant 0 : i32
    %ne3A_36 = arith.cmpi ne, %get3A_34, %ne3A_35 : i32
    %jit3A_37 = arith.constant 2 : i32
    %select_n3A_38 = arith.select %ne3A_36, %jit3A_37, %select_n3A_31 : i32
    %get3A_39 = arith.index_cast %arg0 : i32 to index
    %get3A_40 = arith.constant 1 : index
    %get3A_41 = memref.load %arg1[%get3A_39, %get3A_40] : memref<32x16xi32, #tpu.memory_space<smem>>
    %ne3A_42 = arith.constant 0 : i32
    %ne3A_43 = arith.cmpi ne, %get3A_41, %ne3A_42 : i32
    %jit3A_44 = arith.constant 1 : i32
    %select_n3A_45 = arith.select %ne3A_43, %jit3A_44, %select_n3A_38 : i32
    %get3A_46 = arith.index_cast %arg0 : i32 to index
    %get3A_47 = arith.constant 0 : index
    %get3A_48 = memref.load %arg1[%get3A_46, %get3A_47] : memref<32x16xi32, #tpu.memory_space<smem>>
    %ne3A_49 = arith.constant 0 : i32
    %ne3A_50 = arith.cmpi ne, %get3A_48, %ne3A_49 : i32
    %jit3A_51 = arith.constant 0 : i32
    %select_n3A_52 = arith.select %ne3A_50, %jit3A_51, %select_n3A_45 : i32
    %eq3A = arith.constant 8 : i32
    %eq3A_53 = arith.cmpi eq, %select_n3A_52, %eq3A : i32
    %get3A_54 = arith.constant 0 : index
    %get3A_55 = arith.constant 0 : index
    %get3A_56 = arith.constant 0 : index
    %get3A_57 = arith.constant 0 : index
    %get3A_58 = vector.load %arg2[%get3A_54, %get3A_55, %get3A_56, %get3A_57] : memref<1x1x1x100000xf32, #tpu.memory_space<vmem>>, vector<1x1x1x100000xf32>
    %get3A_59 = arith.constant 0 : index
    %get3A_60 = arith.constant 0 : index
    %get3A_61 = arith.constant 0 : index
    %get3A_62 = arith.constant 0 : index
    %get3A_63 = vector.load %arg3[%get3A_59, %get3A_60, %get3A_61, %get3A_62] : memref<1x1x1x100000xf32, #tpu.memory_space<vmem>>, vector<1x1x1x100000xf32>
    %sub3A = arith.subf %get3A_58, %get3A_63 : vector<1x1x1x100000xf32>
    %max3A = arith.constant 0.000000e+00 : f32
    %max3A_64 = vector.broadcast %max3A : f32 to vector<1x1x1x100000xf32>
    %max3A_65 = arith.maximumf %sub3A, %max3A_64 : vector<1x1x1x100000xf32>
    %select_n3A_66 = arith.select %eq3A_53, %get3A_58, %max3A_65 : vector<1x1x1x100000xf32>
    %reduce_sum3A = vector.shape_cast %select_n3A_66 : vector<1x1x1x100000xf32> to vector<1x1x1x1x100000xf32>
    %reduce_sum3A_67 = arith.constant dense<0.000000e+00> : vector<1xf32>
    %reduce_sum3A_68 = vector.multi_reduction <add>, %reduce_sum3A, %reduce_sum3A_67 [1, 2, 3, 4] : vector<1x1x1x1x100000xf32> to vector<1xf32>
    %reduce_sum3A_69 = vector.shape_cast %reduce_sum3A_68 : vector<1xf32> to vector<1x1x1x1x1xf32>
    %reduce_sum3A_70 = vector.extract %reduce_sum3A_69[0, 0, 0, 0, 0] : f32 from vector<1x1x1x1x1xf32>
    %max3A_71 = arith.constant 9.99999974E-6 : f32
    %max3A_72 = arith.maximumf %reduce_sum3A_70, %max3A_71 : f32
    %jit3A_73 = arith.constant 1.000000e+00 : f32
    %select_n3A_74 = arith.select %eq3A_53, %jit3A_73, %max3A_72 : f32
    %div3A = vector.broadcast %select_n3A_74 : f32 to vector<1x1x1x100000xf32>
    %div3A_75 = arith.divf %select_n3A_66, %div3A : vector<1x1x1x100000xf32>
    %max3A_76 = arith.constant 9.99999968E-21 : f32
    %max3A_77 = vector.broadcast %max3A_76 : f32 to vector<1x1x1x100000xf32>
    %max3A_78 = arith.maximumf %div3A_75, %max3A_77 : vector<1x1x1x100000xf32>
    %log3A = math.log %max3A_78 : vector<1x1x1x100000xf32>
    %get3A_79 = arith.constant 0 : index
    %get3A_80 = arith.constant 0 : index
    %get3A_81 = arith.constant 0 : index
    %get3A_82 = arith.constant 0 : index
    %get3A_83 = vector.load %arg4[%get3A_79, %get3A_80, %get3A_81, %get3A_82] : memref<1x1x1x100000xf32, #tpu.memory_space<vmem>>, vector<1x1x1x100000xf32>
    %add3A = arith.addf %log3A, %get3A_83 : vector<1x1x1x100000xf32>
    %reduce_max3A = vector.shape_cast %add3A : vector<1x1x1x100000xf32> to vector<1x1x1x1x100000xf32>
    %reduce_max3A_84 = arith.constant dense<0xFF800000> : vector<1xf32>
    %reduce_max3A_85 = vector.multi_reduction <maximumf>, %reduce_max3A, %reduce_max3A_84 [1, 2, 3, 4] : vector<1x1x1x1x100000xf32> to vector<1xf32>
    %reduce_max3A_86 = vector.shape_cast %reduce_max3A_85 : vector<1xf32> to vector<1x1x1x1x1xf32>
    %reduce_max3A_87 = vector.extract %reduce_max3A_86[0, 0, 0, 0, 0] : f32 from vector<1x1x1x1x1xf32>
    %iota3A = tpu.iota {dimensions = array<i32: 3>} : vector<1x1x1x100000xi32>
    %eq3A_88 = vector.broadcast %reduce_max3A_87 : f32 to vector<1x1x1x100000xf32>
    %eq3A_89 = arith.cmpf oeq, %add3A, %eq3A_88 : vector<1x1x1x100000xf32>
    %jit3A_90 = arith.constant 100000 : i32
    %broadcast_in_dim3A = vector.broadcast %jit3A_90 : i32 to vector<1x1x1x100000xi32>
    %select_n3A_91 = arith.select %eq3A_89, %iota3A, %broadcast_in_dim3A : vector<1x1x1x100000xi1>, vector<1x1x1x100000xi32>
    %reduce_min3A = vector.shape_cast %select_n3A_91 : vector<1x1x1x100000xi32> to vector<1x1x1x1x100000xi32>
    %reduce_min3A_92 = arith.constant dense<2147483647> : vector<1xi32>
    %reduce_min3A_93 = vector.multi_reduction <minsi>, %reduce_min3A, %reduce_min3A_92 [1, 2, 3, 4] : vector<1x1x1x1x100000xi32> to vector<1xi32>
    %reduce_min3A_94 = vector.shape_cast %reduce_min3A_93 : vector<1xi32> to vector<1x1x1x1x1xi32>
    %reduce_min3A_95 = vector.extract %reduce_min3A_94[0, 0, 0, 0, 0] : i32 from vector<1x1x1x1x1xi32>
    %iota3A_96 = tpu.iota {dimensions = array<i32: 2>} : vector<1x1x9xi32>
    %lt3A = vector.broadcast %select_n3A_52 : i32 to vector<1x1x9xi32>
    %lt3A_97 = arith.cmpi slt, %iota3A_96, %lt3A : vector<1x1x9xi32>
    %get3A_98 = arith.constant 0 : index
    %get3A_99 = arith.constant 0 : index
    %get3A_100 = arith.constant 0 : index
    %get3A_101 = vector.load %arg5[%get3A_98, %get3A_99, %get3A_100] : memref<1x1x9xi32, #tpu.memory_space<vmem>>, vector<1x1x9xi32>
    %eq3A_102 = vector.broadcast %select_n3A_52 : i32 to vector<1x1x9xi32>
    %eq3A_103 = arith.cmpi eq, %iota3A_96, %eq3A_102 : vector<1x1x9xi32>
    %jit3A_104 = arith.constant -1 : i32
    %broadcast_in_dim3A_105 = vector.broadcast %reduce_min3A_95 : i32 to vector<1x1x9xi32>
    %broadcast_in_dim3A_106 = vector.broadcast %jit3A_104 : i32 to vector<1x1x9xi32>
    %select_n3A_107 = arith.select %eq3A_103, %broadcast_in_dim3A_105, %broadcast_in_dim3A_106 : vector<1x1x9xi1>, vector<1x1x9xi32>
    %select_n3A_108 = arith.select %lt3A_97, %get3A_101, %select_n3A_107 : vector<1x1x9xi1>, vector<1x1x9xi32>
    %swap3A = arith.constant 0 : index
    %swap3A_109 = arith.constant 0 : index
    %swap3A_110 = arith.constant 0 : index
    %swap3A_111 = vector.load %arg6[%swap3A, %swap3A_109, %swap3A_110] : memref<1x1x9xi32, #tpu.memory_space<vmem>>, vector<1x1x9xi32>
    tpu.vector_store %arg6[%swap3A, %swap3A_109, %swap3A_110], %select_n3A_108 {strides = array<i32>} : memref<1x1x9xi32, #tpu.memory_space<vmem>>, vector<1x1x9xi32>,
    return
  }
  func.func @transform_0(%arg0: i32, %arg1: memref<32x16xi32, #tpu.memory_space<smem>>) -> (i32, i32, i32, i32) {
    %get3A = arith.index_cast %arg0 : i32 to index
    %get3A_0 = arith.constant 7 : index
    %get3A_1 = memref.load %arg1[%get3A, %get3A_0] : memref<32x16xi32, #tpu.memory_space<smem>>
    %ne3A = arith.constant 0 : i32
    %ne3A_2 = arith.cmpi ne, %get3A_1, %ne3A : i32
    %jit3A = arith.constant 7 : i32
    %jit3A_3 = arith.constant 8 : i32
    %select_n3A = arith.select %ne3A_2, %jit3A, %jit3A_3 : i32
    %get3A_4 = arith.index_cast %arg0 : i32 to index
    %get3A_5 = arith.constant 6 : index
    %get3A_6 = memref.load %arg1[%get3A_4, %get3A_5] : memref<32x16xi32, #tpu.memory_space<smem>>
    %ne3A_7 = arith.constant 0 : i32
    %ne3A_8 = arith.cmpi ne, %get3A_6, %ne3A_7 : i32
    %jit3A_9 = arith.constant 6 : i32
    %select_n3A_10 = arith.select %ne3A_8, %jit3A_9, %select_n3A : i32
    %get3A_11 = arith.index_cast %arg0 : i32 to index
    %get3A_12 = arith.constant 5 : index
    %get3A_13 = memref.load %arg1[%get3A_11, %get3A_12] : memref<32x16xi32, #tpu.memory_space<smem>>
    %ne3A_14 = arith.constant 0 : i32
    %ne3A_15 = arith.cmpi ne, %get3A_13, %ne3A_14 : i32
    %jit3A_16 = arith.constant 5 : i32
    %select_n3A_17 = arith.select %ne3A_15, %jit3A_16, %select_n3A_10 : i32
    %get3A_18 = arith.index_cast %arg0 : i32 to index
    %get3A_19 = arith.constant 4 : index
    %get3A_20 = memref.load %arg1[%get3A_18, %get3A_19] : memref<32x16xi32, #tpu.memory_space<smem>>
    %ne3A_21 = arith.constant 0 : i32
    %ne3A_22 = arith.cmpi ne, %get3A_20, %ne3A_21 : i32
    %jit3A_23 = arith.constant 4 : i32
    %select_n3A_24 = arith.select %ne3A_22, %jit3A_23, %select_n3A_17 : i32
    %get3A_25 = arith.index_cast %arg0 : i32 to index
    %get3A_26 = arith.constant 3 : index
    %get3A_27 = memref.load %arg1[%get3A_25, %get3A_26] : memref<32x16xi32, #tpu.memory_space<smem>>
    %ne3A_28 = arith.constant 0 : i32
    %ne3A_29 = arith.cmpi ne, %get3A_27, %ne3A_28 : i32
    %jit3A_30 = arith.constant 3 : i32
    %select_n3A_31 = arith.select %ne3A_29, %jit3A_30, %select_n3A_24 : i32
    %get3A_32 = arith.index_cast %arg0 : i32 to index
    %get3A_33 = arith.constant 2 : index
    %get3A_34 = memref.load %arg1[%get3A_32, %get3A_33] : memref<32x16xi32, #tpu.memory_space<smem>>
    %ne3A_35 = arith.constant 0 : i32
    %ne3A_36 = arith.cmpi ne, %get3A_34, %ne3A_35 : i32
    %jit3A_37 = arith.constant 2 : i32
    %select_n3A_38 = arith.select %ne3A_36, %jit3A_37, %select_n3A_31 : i32
    %get3A_39 = arith.index_cast %arg0 : i32 to index
    %get3A_40 = arith.constant 1 : index
    %get3A_41 = memref.load %arg1[%get3A_39, %get3A_40] : memref<32x16xi32, #tpu.memory_space<smem>>
    %ne3A_42 = arith.constant 0 : i32
    %ne3A_43 = arith.cmpi ne, %get3A_41, %ne3A_42 : i32
    %jit3A_44 = arith.constant 1 : i32
    %select_n3A_45 = arith.select %ne3A_43, %jit3A_44, %select_n3A_38 : i32
    %get3A_46 = arith.index_cast %arg0 : i32 to index
    %get3A_47 = arith.constant 0 : index
    %get3A_48 = memref.load %arg1[%get3A_46, %get3A_47] : memref<32x16xi32, #tpu.memory_space<smem>>
    %ne3A_49 = arith.constant 0 : i32
    %ne3A_50 = arith.cmpi ne, %get3A_48, %ne3A_49 : i32
    %jit3A_51 = arith.constant 0 : i32
    %select_n3A_52 = arith.select %ne3A_50, %jit3A_51, %select_n3A_45 : i32
    %c0_i32 = arith.constant 0 : i32
    %c0_i32_53 = arith.constant 0 : i32
    %c0_i32_54 = arith.constant 0 : i32
    return %arg0, %select_n3A_52, %c0_i32, %c0_i32_53 : i32, i32, i32, i32
  }
  func.func @transform_1(%arg0: i32, %arg1: memref<32x16xi32, #tpu.memory_space<smem>>) -> (i32, i32, i32, i32) {
    %get3A = arith.index_cast %arg0 : i32 to index
    %get3A_0 = arith.constant 7 : index
    %get3A_1 = memref.load %arg1[%get3A, %get3A_0] : memref<32x16xi32, #tpu.memory_space<smem>>
    %ne3A = arith.constant 0 : i32
    %ne3A_2 = arith.cmpi ne, %get3A_1, %ne3A : i32
    %jit3A = arith.constant 7 : i32
    %jit3A_3 = arith.constant 8 : i32
    %select_n3A = arith.select %ne3A_2, %jit3A, %jit3A_3 : i32
    %get3A_4 = arith.index_cast %arg0 : i32 to index
    %get3A_5 = arith.constant 6 : index
    %get3A_6 = memref.load %arg1[%get3A_4, %get3A_5] : memref<32x16xi32, #tpu.memory_space<smem>>
    %ne3A_7 = arith.constant 0 : i32
    %ne3A_8 = arith.cmpi ne, %get3A_6, %ne3A_7 : i32
    %jit3A_9 = arith.constant 6 : i32
    %select_n3A_10 = arith.select %ne3A_8, %jit3A_9, %select_n3A : i32
    %get3A_11 = arith.index_cast %arg0 : i32 to index
    %get3A_12 = arith.constant 5 : index
    %get3A_13 = memref.load %arg1[%get3A_11, %get3A_12] : memref<32x16xi32, #tpu.memory_space<smem>>
    %ne3A_14 = arith.constant 0 : i32
    %ne3A_15 = arith.cmpi ne, %get3A_13, %ne3A_14 : i32
    %jit3A_16 = arith.constant 5 : i32
    %select_n3A_17 = arith.select %ne3A_15, %jit3A_16, %select_n3A_10 : i32
    %get3A_18 = arith.index_cast %arg0 : i32 to index
    %get3A_19 = arith.constant 4 : index
    %get3A_20 = memref.load %arg1[%get3A_18, %get3A_19] : memref<32x16xi32, #tpu.memory_space<smem>>
    %ne3A_21 = arith.constant 0 : i32
    %ne3A_22 = arith.cmpi ne, %get3A_20, %ne3A_21 : i32
    %jit3A_23 = arith.constant 4 : i32
    %select_n3A_24 = arith.select %ne3A_22, %jit3A_23, %select_n3A_17 : i32
    %get3A_25 = arith.index_cast %arg0 : i32 to index
    %get3A_26 = arith.constant 3 : index
    %get3A_27 = memref.load %arg1[%get3A_25, %get3A_26] : memref<32x16xi32, #tpu.memory_space<smem>>
    %ne3A_28 = arith.constant 0 : i32
    %ne3A_29 = arith.cmpi ne, %get3A_27, %ne3A_28 : i32
    %jit3A_30 = arith.constant 3 : i32
    %select_n3A_31 = arith.select %ne3A_29, %jit3A_30, %select_n3A_24 : i32
    %get3A_32 = arith.index_cast %arg0 : i32 to index
    %get3A_33 = arith.constant 2 : index
    %get3A_34 = memref.load %arg1[%get3A_32, %get3A_33] : memref<32x16xi32, #tpu.memory_space<smem>>
    %ne3A_35 = arith.constant 0 : i32
    %ne3A_36 = arith.cmpi ne, %get3A_34, %ne3A_35 : i32
    %jit3A_37 = arith.constant 2 : i32
    %select_n3A_38 = arith.select %ne3A_36, %jit3A_37, %select_n3A_31 : i32
    %get3A_39 = arith.index_cast %arg0 : i32 to index
    %get3A_40 = arith.constant 1 : index
    %get3A_41 = memref.load %arg1[%get3A_39, %get3A_40] : memref<32x16xi32, #tpu.memory_space<smem>>
    %ne3A_42 = arith.constant 0 : i32
    %ne3A_43 = arith.cmpi ne, %get3A_41, %ne3A_42 : i32
    %jit3A_44 = arith.constant 1 : i32
    %select_n3A_45 = arith.select %ne3A_43, %jit3A_44, %select_n3A_38 : i32
    %get3A_46 = arith.index_cast %arg0 : i32 to index
    %get3A_47 = arith.constant 0 : index
    %get3A_48 = memref.load %arg1[%get3A_46, %get3A_47] : memref<32x16xi32, #tpu.memory_space<smem>>
    %ne3A_49 = arith.constant 0 : i32
    %ne3A_50 = arith.cmpi ne, %get3A_48, %ne3A_49 : i32
    %jit3A_51 = arith.constant 0 : i32
    %select_n3A_52 = arith.select %ne3A_50, %jit3A_51, %select_n3A_45 : i32
    %min3A = arith.constant 7 : i32
    %min3A_53 = arith.minsi %select_n3A_52, %min3A : i32
    %c0_i32 = arith.constant 0 : i32
    %c0_i32_54 = arith.constant 0 : i32
    %c0_i32_55 = arith.constant 0 : i32
    return %arg0, %min3A_53, %c0_i32, %c0_i32_54 : i32, i32, i32, i32
  }
  func.func @transform_2(%arg0: i32, %arg1: memref<32x16xi32, #tpu.memory_space<smem>>) -> (i32, i32, i32, i32) {
    %c0_i32 = arith.constant 0 : i32
    %c0_i32_0 = arith.constant 0 : i32
    %c0_i32_1 = arith.constant 0 : i32
    %c0_i32_2 = arith.constant 0 : i32
    return %arg0, %c0_i32, %c0_i32_0, %c0_i32_1 : i32, i32, i32, i32
  }
  func.func @transform_3(%arg0: i32, %arg1: memref<32x16xi32, #tpu.memory_space<smem>>) -> (i32, i32, i32) {
    %c0_i32 = arith.constant 0 : i32
    %c0_i32_0 = arith.constant 0 : i32
    %c0_i32_1 = arith.constant 0 : i32
    return %arg0, %c0_i32, %c0_i32_0 : i32, i32, i32
  }
  func.func @transform_4(%arg0: i32, %arg1: memref<32x16xi32, #tpu.memory_space<smem>>) -> (i32, i32, i32) {
    %c0_i32 = arith.constant 0 : i32
    %c0_i32_0 = arith.constant 0 : i32
    %c0_i32_1 = arith.constant 0 : i32
    return %arg0, %c0_i32, %c0_i32_0 : i32, i32, i32
  }
}

</mosaic_0001>

<sc_bundles>
// kernel: kernel.6.cloned.1.call-start
scs
__scs_entry_jumppad:
0x0: {  	(pc) =	sbr.rel $0x88, $3  }
0x1: {  	(tag) =	ssettag $0x0;
	lr =	simm.s32 $0x1  }
0x2: {  	[smem:$0x3F9E] =	sst lr;
	_ =	strace $0xD0000000  }
0x3: {  	_ = 	snop  }
0x4: {  	_ = 	snop  }
0x5: {  	_ = 	snop  }
0x6: {  	_ = 	snop  }
0x7: {  	_ = 	snop  }
__scs_overlays_trampoline_lowered:
0x8: {  	[smem:$0x3FAD] =	sst s0  }
0x9: {  	[smem:$0x3FAE] =	sst s1  }
0xa: {  	[smem:$0x3FAF] =	sst s2  }
0xb: {  	[smem:$0x3FB0] =	sst s3  }
0xc: {  	[smem:$0x3FB1] =	sst s4  }
0xd: {  	[smem:$0x3FB2] =	sst s5  }
0xe: {  	[smem:$0x3FB3] =	sst s6  }
0xf: {  	[smem:$0x3FB4] =	sst s7  }
0x10: {  	[smem:$0x3FB5] =	sst s8  }
0x11: {  	[smem:$0x3FB6] =	sst s9;
	s0 =	simm.s32 @!p0 $0x0  }
0x12: {  	s1 =	sld [smem:$0x3F9C];
	s0 =	simm.s32 @p0 $0x1  }
0x13: {  	[smem:$0x3FB7] =	sst s0;
	s0 =	simm.s32 @!p1 $0x0  }
0x14: {  	s2 =	sld [smem:$0x3F9B];
	s0 =	simm.s32 @p1 $0x1  }
0x15: {  	[smem:$0x3FB8] =	sst s0;
	s0 =	simm.s32 @!p2 $0x0  }
0x16: {  	s3 =	sld [smem:$0x3FDB];
	s0 =	simm.s32 @p2 $0x1  }
0x17: {  	s4 =	simm.s32 $0x1BF5;
	[smem:$0x3FBA] =	sst s0  }
0x18: {  	s0 =	sld [smem:$0x3F9D];
	_ =	swait.ge [sflag:s4], $0x0  }
0x19: {  	s7 =	sld [smem:$0x3F9E]  }
0x1a: {  	s8 =	sadd.s32 $0xFFFFE003, lr  }
0x1b: {  	s9 =	sadd.s32 $0xFFFFFEF7, lr;
	s5 =	simm.s32 $0xFFFFFFFF;
	p2 =	slt.u32 s8, $0xFFFFF086  }
0x1c: {  	p1 =	slt.u32 s9, $0xF7A;
	s5 =	simm.s32 @!p2 $0x0  }
0x1d: {  	s5 =	simm.s32 @p1 $0x1;
	p0 =	seq.s32 s7, s2  }
0x1e: {  	s7 =	smul.u32 @!p0 $0xF7A, s2;
	p2 =	seq.s32 @!p0 s5, $0x0  }
0x1f: {  	s9 =	smul.u32 $0xF7A, s1;
	s8 =	simm.s32 @!p0 $0x1BF5;
	p2 =	por !p2, p0  }
0x20: {  	[sflag:s8] =	ssyncset.s32 @!p0 $0xFFFFF086;
	s6 =	sadd.s32 @!p0 s3, s7;
	s7 =	simm.s32 @!p0 $0x108  }
0x21: {  	s3 =	sadd.s32 s3, s9;
	s6 =	sadd.s32 @!p0 $0x88, s6;
	s7 =	simm.s32 @p2 $0x1082  }
0x22: {  	[simem:s7], [sflag:s8] =	dma.local @!p0 [hbm:s6], $0xF7A  }
0x23: {  	s9 =	sor.u32 $0xD0000000, s2;
	s6 =	simm.s32 $0x108;
	_ =	swait.ge @!p0 [sflag:s8], $0x0  }
0x24: {  	s3 =	sadd.s32 $0x88, s3;
	s6 =	simm.s32 @!p1 $0x1082;
	[sflag:s4] =	ssyncset.s32 $0xFFFFF086  }
0x25: {  	[simem:s6], [sflag:s4] =	dma.local [hbm:s3], $0xF7A  }
0x26: {  	[smem:$0x3F9E] =	sst s1;
	(tag) =	ssettag s2;
	_ =	strace s9  }
0x27: {  	s1 =	sld [smem:$0x3FAE]  }
0x28: {  	s2 =	sld [smem:$0x3FAF]  }
0x29: {  	s4 =	sld [smem:$0x3FB1]  }
0x2a: {  	p0 =	seq.s32 s5, $0x0;
	s5 =	sld [smem:$0x3FB2]  }
0x2b: {  	s6 =	sld [smem:$0x3FB3]  }
0x2c: {  	s7 =	sld [smem:$0x3FB4]  }
0x2d: {  	s3 =	simm.s32 $0x108;
	s8 =	sld [smem:$0x3FB5]  }
0x2e: {  	s3 =	simm.s32 @!p0 $0x1082;
	s9 =	sld [smem:$0x3FB6]  }
0x2f: {  	lr =	sadd.s32 s0, s3;
	s0 =	sld [smem:$0x3FAD]  }
0x30: {  	s3 =	sld [smem:$0x3FB0]  }
0x31: {  	[smem:$0x3FB9] =	sst s10  }
0x32: {  	s10 =	sld [smem:$0x3FB7];
	_ =	sdelay $0x3  }
0x33: {  	p0 =	seq.s32 s10, $0x1;
	s10 =	sld [smem:$0x3FB9];
	_ =	sdelay $0x3  }
0x34: {  	[smem:$0x3FB9] =	sst s10  }
0x35: {  	s10 =	sld [smem:$0x3FB8];
	_ =	sdelay $0x3  }
0x36: {  	p1 =	seq.s32 s10, $0x1;
	s10 =	sld [smem:$0x3FB9];
	_ =	sdelay $0x3  }
0x37: {  	[smem:$0x3FB9] =	sst s10  }
0x38: {  	s10 =	sld [smem:$0x3FBA]  }
0x39: {  	_ = 	snop;
	(pc) =	sbr.ind lr, $3  }
0x3a: {  	_ = 	snop  }
0x3b: {  	_ = 	snop  }
0x3c: {  	p2 =	seq.s32 s10, $0x1;
	s10 =	sld [smem:$0x3FB9]  }
0x3d: {  	_ =	shalt  }
0x3e: {  	_ =	shalt  }
0x3f: {  	_ =	shalt  }
0x40: {  	_ =	shalt  }
0x41: {  	_ =	shalt  }
0x42: {  	_ =	shalt  }
0x43: {  	_ =	shalt  }
0x44: {  	_ =	shalt  }
0x45: {  	_ =	shalt  }
0x46: {  	_ =	shalt  }
0x47: {  	_ =	shalt  }
0x48: {  	_ =	shalt  }
0x49: {  	_ =	shalt  }
0x4a: {  	_ =	shalt  }
0x4b: {  	_ =	shalt  }
0x4c: {  	_ =	shalt  }
0x4d: {  	_ =	shalt  }
0x4e: {  	_ =	shalt  }
0x4f: {  	_ =	shalt  }
0x50: {  	_ =	shalt  }
0x51: {  	_ =	shalt  }
0x52: {  	_ =	shalt  }
0x53: {  	_ =	shalt  }
0x54: {  	_ =	shalt  }
0x55: {  	_ =	shalt  }
0x56: {  	_ =	shalt  }
0x57: {  	_ =	shalt  }
0x58: {  	_ =	shalt  }
0x59: {  	_ =	shalt  }
0x5a: {  	_ =	shalt  }
0x5b: {  	_ =	shalt  }
0x5c: {  	_ =	shalt  }
0x5d: {  	_ =	shalt  }
0x5e: {  	_ =	shalt  }
0x5f: {  	_ =	shalt  }
0x60: {  	_ =	shalt  }
0x61: {  	_ =	shalt  }
0x62: {  	_ =	shalt  }
0x63: {  	_ =	shalt  }
0x64: {  	_ =	shalt  }
0x65: {  	_ =	shalt  }
0x66: {  	_ =	shalt  }
0x67: {  	_ =	shalt  }
0x68: {  	_ =	shalt  }
0x69: {  	_ =	shalt  }
0x6a: {  	_ =	shalt  }
0x6b: {  	_ =	shalt  }
0x6c: {  	_ =	shalt  }
0x6d: {  	_ =	shalt  }
0x6e: {  	_ =	shalt  }
0x6f: {  	_ =	shalt  }
0x70: {  	_ =	shalt  }
0x71: {  	_ =	shalt  }
0x72: {  	_ =	shalt  }
0x73: {  	_ =	shalt  }
0x74: {  	_ =	shalt  }
0x75: {  	_ =	shalt  }
0x76: {  	_ =	shalt  }
0x77: {  	_ =	shalt  }
0x78: {  	_ =	shalt  }
0x79: {  	_ =	shalt  }
0x7a: {  	_ =	shalt  }
0x7b: {  	_ =	shalt  }
0x7c: {  	_ =	shalt  }
0x7d: {  	_ =	shalt  }
0x7e: {  	_ =	shalt  }
0x7f: {  	_ =	shalt  }
0x80: {  	_ =	shalt  }
0x81: {  	_ =	shalt  }
0x82: {  	_ =	shalt  }
0x83: {  	_ =	shalt  }
0x84: {  	_ =	shalt  }
0x85: {  	_ =	shalt  }
0x86: {  	_ =	shalt  }
0x87: {  	_ =	shalt  }
.Lfunc_end0:
.L_simem_size_0:
called_computation_lowered:
.L_overlay_start_0:
0x88: {  	s2 =	sld [smem:$0x3FD9]  }
0x89: {  	s3 =	sld [smem:$0x3FFE];
	_ =	sdelay $0x1  }
0x8a: {  	s1 =	srdreg.scid  }
0x8b: {  	s0 =	sand.u32 $0x1, s1  }
0x8c: {  	s16 =	sshll.u32 s0, $0xA;
	s2 =	sadd.s32 s3, s2  }
0x8d: {  	s2 =	sadd.s32 s2, s16  }
0x8e: {  	[smem:$0x3FC5] =	sst s2  }
0x8f: {  	_ = 	snop  }
0x90: {  	(tm) =	ssettm $0x1  }
0x91: {  	s17 =	sld [smem:$0x3FFB];
	_ =	sdelay $0x3  }
0x92: {  	_ =	strace s17  }
0x93: {  	s2 =	sld [smem:$0x3FFC];
	_ =	sdelay $0x3  }
0x94: {  	_ =	strace s2  }
0x95: {  	s2 =	sld [smem:$0x3FFD];
	_ =	sdelay $0x3  }
0x96: {  	_ =	strace s2  }
0x97: {  	_ =	strace $0x8FFFFFFF  }
0x98: {  	s18 =	sld [smem:$0x3FDB];
	_ =	sdelay $0x1  }
0x99: {  	s19 =	simm.s32 $_scs_section_size  }
0x9a: {  	s4 =	simm.s32 $_size__tile_overlayer_lowered;
	s5 =	simm.s32 $_tile_overlayer_lowered  }
0x9b: {  	s22 =	simm.s32 $0x1BFF;
	s21 =	sshll.u32 s5, $0x1;
	s2 =	sadd.s32 s19, s18  }
0x9c: {  	s6 =	simm.s32 $0x0;
	s20 =	sshll.u32 s4, $0x1;
	s4 =	sadd.s32 s21, s2  }
0x9d: {  	[timem:s6], [sflag:s22] =	dma.local [hbm:s4], s20  }
0x9e: {  	_ =	swait.ge [sflag:s22], s20  }
0x9f: {  	s3 =	ssub.s32 $0x0, s20;
	[sflag:s22] =	ssyncset.done $0x0  }
0xa0: {  	[sflag:s22] =	ssyncadd.s32 s3;
	_ =	sdelay $0x1  }
0xa1: {  	s23 =	simm.s32 $0x1B8B  }
0xa2: {  	_ =	swait.ge [sflag:s23], $0x1  }
0xa3: {  	[sflag:s23] =	ssyncset.done $0x0  }
0xa4: {  	s25 =	simm.s32 $0x1B8E;
	s24 =	sld [smem:$0x3FFE];
	[sflag:s23] =	ssyncadd.s32 $0xFFFFFFFF  }
0xa5: {  	s26 =	simm.s32 $execute0_lowered;
	[smem:$0x3FD2] =	sst s25  }
0xa6: {  	s4 =	sshll.u32 s26, $0x1;
	_ =	strace $0x80000046;
	[dreg:$0x1] =	wrdreg $0xFFFFFFFF  }
0xa7: {  	s28 =	simm.s32 $_size_execute0_lowered;
	s2 =	sadd.s32 s2, s4;
	[dreg:$0x0] =	wrdreg $0x0  }
0xa8: {  	s4 =	sshll.u32 s28, $0x1;
	[dreg:$0x2] =	wrdreg s2  }
0xa9: {  	[dreg:$0x3] =	wrdreg s4  }
0xaa: {  	[dreg:$0x4] =	wrdreg $0xC0  }
0xab: {  	_ =	task [dreg:s6], $0x5FFFF  }
0xac: {  	[dreg:$0x1] =	wrdreg $0xFFFFFFFF  }
0xad: {  	[dreg:$0x0] =	wrdreg $0x60  }
0xae: {  	[dreg:$0x2] =	wrdreg s24  }
0xaf: {  	[dreg:$0x3] =	wrdreg $0x9  }
0xb0: {  	_ =	task.clear_ibuf [dreg:s6], $0x4FFFF;
	_ =	strace $0x90000046  }
0xb1: {  	s29 =	simm.s32 $0x9;
	_ =	strace $0x80000048  }
0xb2: {  	_ =	swait.ge [sflag:s29], $0x1  }
0xb3: {  	[sflag:s29] =	ssyncadd.s32 $0xFFFFFFFF  }
0xb4: {  	_ =	strace $0x90000048  }
0xb5: {  	_ =	sfence  }
0xb6: {  	s30 =	sld [smem:$0x0];
	_ =	sdelay $0x2  }
0xb7: {  	s31 =	sshll.u32 s1, $0xD;
	s1 =	sshrl.u32 s1, $0x2  }
0xb8: {  	s3 =	sand.u32 $0x4000, s31;
	s1 =	sadd.s32 s1, s30  }
0xb9: {  	s0 =	sor.u32 s3, s0;
	s1 =	sshll.u32 s1, $0x11  }
0xba: {  	s0 =	sor.u32 s1, s0  }
0xbb: {  	s0 =	sadd.s32 $0x8F2B, s0  }
0xbc: {  	[sflag:s0] =	ssyncadd.remote.s32 $0x1  }
0xbd: {  	_ =	sfence.sel $0xFFFF  }
0xbe: {  	[dreg:$0x0] =	wrdreg $0xFFFFFFFF;
	(pc) =	sbr.abs _section_cstart, $3  }
0xbf: {  	[dreg:$0x1] =	wrdreg $0xFFFFFFFF  }
0xc0: {  	_ =	task.clear_ibuf [dreg:s6], $0x2FFFF;
	_ =	strace $0x9FFFFFFF  }
0xc1: {  	(tm) =	ssettm $0x7FFFFFFF  }
tec
execute0_lowered:
.L_overlay_start_1:
0x0: {  	(tag) =	ssettag $0x1  }
0x1: {  	s1 =	srdreg.scid;
	s0 =	stileid.u32  }
0x2: {  	s13 =	sand.u32 $0x1, s1;
	s31 =	sshll.u32 s0, $0x1  }
0x3: {  	s9 =	rddreg [dreg:$0x0];
	s7 =	sor.u32 s13, s31  }
0x4: {  	s2 =	simm.s32 $0x0;
	s1 =	rddreg [dreg:$0x1];
	s3 =	sshll.u32 s7, $0x4  }
0x5: {  	[smem:$0x7FF] =	sst s2;
	s14 =	sadd.s32 s3, s9  }
0x6: {  	_ =	strace $0x80000047;
	s3 =	simm.s32 $0x3;
	s4 =	sadd.s32 $0x67D600, s14  }
0x7: {  	[tilespmem:s2], [sflag:$0x3] =	stream.linear.gather [hbm4b:s4+s2], $0x80, $0x38;
	[tilespmem:$0x280] =	vst v63  }
0x8: {  	_ =	swait.ge [sflag:s3], $0x80  }
0x9: {  	[sflag:s3] =	ssyncset.done $0x0  }
0xa: {  	s6 =	simm.s32 $0x80;
	s5 =	sadd.s32 $0x67D800, s14;
	[sflag:s3] =	ssyncadd.s32 $0xFFFFFF80  }
0xb: {  	[tilespmem:s6], [sflag:$0x3] =	stream.linear.gather [hbm4b:s5+s2], $0x80, $0x38;
	[tilespmem:$0x280] =	vst v63  }
0xc: {  	s8 =	smul.u32 $0x9, s7;
	_ =	swait.ge [sflag:s3], $0x80  }
0xd: {  	[sflag:s3] =	ssyncset.done $0x0  }
0xe: {  	v0 =	vmov s8;
	[sflag:s3] =	ssyncadd.s32 $0xFFFFFF80  }
0xf: {  	s7 =	sshll.u32 s7, $0x3;
	v0 =	vmul.u32 $0x186A0, v0;
	v2 =	vld [tilespmem:$0x0]  }
0x10: {  	v1 =	vlaneseq.u32;
	v3 =	vmov s7  }
0x11: {  	v1 =	vmul.u32 $0x186A0, v1;
	v3 =	vmul.u32 $0x186A0, v3;
	v0 =	vbroadcast v0, $0x0;
	_ =	sdelay $0x1  }
0x12: {  	v3 =	vbroadcast v3, $0x0;
	v0 =	vadd.s32 v1, v0  }
0x13: {  	vm0 =	vmmov $0xff;
	v4 =	vadd.s32 v0, v2  }
0x14: {  	v1 =	vadd.s32 v1, v3;
	v3 =	vnsel vm0, $0x0, v4  }
0x15: {  	v2 =	vadd.s32 v1, v2  }
0x16: {  	v2 =	vnsel vm0, $0x0, v2;
	_ =	sdelay $0x1  }
0x17: {  	vm1 =	vmmov $0xffff;
	s7 =	sadd.s32 $0xE00, s9;
	s8 =	simm.s32 $0x100  }
0x18: {  	[tilespmem:s8], [sflag:$0x1] =	stream.indirect_vreg.gather [hbm4b:s7+s2], $0x1, v3, vm1, $0xb8;
	[tilespmem:$0x280] =	vst v63  }
0x19: {  	s10 =	simm.s32 $0x180;
	s11 =	simm.s32 $0x1;
	s9 =	sadd.s32 $0x370000, s9  }
0x1a: {  	[tilespmem:s10], [sflag:$0x2] =	stream.indirect_vreg.gather [hbm4b:s9+s2], $0x1, v2, vm1, $0xb8;
	[tilespmem:$0x280] =	vst v63  }
0x1b: {  	_ =	swait.ge [sflag:s11], $0x10  }
0x1c: {  	[sflag:s11] =	ssyncset.done $0x0  }
0x1d: {  	s12 =	simm.s32 $0x2;
	[sflag:s11] =	ssyncadd.s32 $0xFFFFFFF0  }
0x1e: {  	_ =	swait.ge [sflag:s12], $0x10  }
0x1f: {  	[sflag:s12] =	ssyncset.done $0x0  }
0x20: {  	[sflag:s12] =	ssyncadd.s32 $0xFFFFFFF0  }
0x21: {  	v2 =	vld [tilespmem:$0x180];
	_ =	sdelay $0x4  }
0x22: {  	(erf) = vrcp.f32 v2;
	_ =	sdelay $0x4  }
0x23: {  	v2 =	vld [tilespmem:$0x100];
	_ =	sdelay $0x1  }
0x24: {  	v3 =	vld [tilespmem:$0x80]  }
0x25: {  	s13 =	ssub.s32 $0x2, s13  }
0x26: {  	s15 =	sshrl.u32 s13, $0x1;
	v63 =	vpop (erf)  }
0x27: {  	s15 =	ssub.s32 s13, s15;
	v4 =	vmul.f32 v63, v2  }
0x28: {  	s15 =	smax.u32 s15, $0x1  }
0x29: {  	p0 =	sne.s32 s15, $0x1;
	v2 =	vimm.s32 $0x0;
	vm2 =	vlt.f32 v4, v3  }
.Ltmp0:
0x2a: {  	v3 =	vsel vm2, $0x1, v2;
	(pc) =	sbr.rel @!p0 .LBB2_2-.Ltmp0, $4  }
0x2b: {  	s13 =	sadd.s32 $0x67DA00, s14;
	s14 =	simm.s32 $0x200;
	[tilespmem:$0x200] =	vst v3  }
0x2c: {  	[hbm4b:s13+s2] =	stream.linear.scatter [tilespmem:s14], [sflag:$0x3], $0x80, $0x38;
	[tilespmem:$0x280] =	vst v63  }
0x2d: {  	_ =	swait.ge [sflag:s3], $0x80  }
0x2e: {  	s15 =	sadd.s32 $0xFFFFFFFF, s15;
	[sflag:s3] =	ssyncset.done $0x0  }
.LBB2_1:
0x2f: {  	p0 =	sne.s32 s15, $0x1;
	s15 =	sadd.s32 $0xFFFFFFFF, s15;
	[sflag:s3] =	ssyncadd.s32 $0xFFFFFF80  }
0x30: {  	[tilespmem:s2], [sflag:$0x3] =	stream.linear.gather [hbm4b:s4+s2], $0x80, $0x38;
	[tilespmem:$0x280] =	vst v63  }
0x31: {  	_ =	swait.ge [sflag:s3], $0x80  }
0x32: {  	[sflag:s3] =	ssyncset.done $0x0  }
0x33: {  	[sflag:s3] =	ssyncadd.s32 $0xFFFFFF80  }
0x34: {  	[tilespmem:s6], [sflag:$0x3] =	stream.linear.gather [hbm4b:s5+s2], $0x80, $0x38;
	[tilespmem:$0x280] =	vst v63  }
0x35: {  	_ =	swait.ge [sflag:s3], $0x80  }
0x36: {  	[sflag:s3] =	ssyncset.done $0x0  }
0x37: {  	[sflag:s3] =	ssyncadd.s32 $0xFFFFFF80  }
0x38: {  	v3 =	vld [tilespmem:$0x0];
	_ =	sdelay $0x4  }
0x39: {  	v4 =	vadd.s32 v0, v3;
	v3 =	vadd.s32 v1, v3  }
0x3a: {  	v4 =	vnsel vm0, $0x0, v4;
	_ =	sdelay $0x1  }
0x3b: {  	v3 =	vnsel vm0, $0x0, v3;
	_ =	sdelay $0x2  }
0x3c: {  	[tilespmem:s8], [sflag:$0x1] =	stream.indirect_vreg.gather [hbm4b:s7+s2], $0x1, v4, vm1, $0xb8;
	[tilespmem:$0x280] =	vst v63  }
0x3d: {  	_ = 	snop  }
0x3e: {  	[tilespmem:s10], [sflag:$0x2] =	stream.indirect_vreg.gather [hbm4b:s9+s2], $0x1, v3, vm1, $0xb8;
	[tilespmem:$0x280] =	vst v63  }
0x3f: {  	_ =	swait.ge [sflag:s11], $0x10  }
0x40: {  	[sflag:s11] =	ssyncset.done $0x0  }
0x41: {  	[sflag:s11] =	ssyncadd.s32 $0xFFFFFFF0  }
0x42: {  	_ =	swait.ge [sflag:s12], $0x10  }
0x43: {  	[sflag:s12] =	ssyncset.done $0x0  }
0x44: {  	[sflag:s12] =	ssyncadd.s32 $0xFFFFFFF0  }
0x45: {  	v3 =	vld [tilespmem:$0x180];
	_ =	sdelay $0x4  }
0x46: {  	(erf) = vrcp.f32 v3;
	_ =	sdelay $0x4  }
0x47: {  	v3 =	vld [tilespmem:$0x100];
	_ =	sdelay $0x1  }
0x48: {  	v4 =	vld [tilespmem:$0x80];
	_ =	sdelay $0x1  }
0x49: {  	v5 =	vpop (erf)  }
0x4a: {  	v3 =	vmul.f32 v5, v3;
	_ =	sdelay $0x1  }
0x4b: {  	vm2 =	vlt.f32 v3, v4  }
.Ltmp1:
0x4c: {  	v3 =	vsel vm2, $0x1, v2;
	(pc) =	sbr.rel @p0 .LBB2_1-.Ltmp1, $4  }
0x4d: {  	[tilespmem:$0x200] =	vst v3  }
0x4e: {  	[hbm4b:s13+s2] =	stream.linear.scatter [tilespmem:s14], [sflag:$0x3], $0x80, $0x38;
	[tilespmem:$0x280] =	vst v63  }
0x4f: {  	_ =	swait.ge [sflag:s3], $0x80  }
0x50: {  	[sflag:s3] =	ssyncset.done $0x0  }
.LBB2_2:
0x51: {  	[sflag:s3] =	ssyncadd.s32 $0xFFFFFF80  }
0x52: {  	_ =	sfence.sel $0x180000  }
0x53: {  	[bflag:$0x0] =	sbarrier.arrive $0xFFFF  }
0x54: {  	p0 =	sne.s32 s0, $0x0;
	_ =	strace $0x90000047  }
0x55: {  	s0 =	sadd.s32 @!p0 $0x100000, s1;
	[bflag:$0x2] =	sbarrier.arrive $0xFFFF  }
0x56: {  	[sflag:s0] =	ssyncadd.tile.s32 @!p0 $0x1;
	_ =	shalt  }
.Lfunc_end2:
_tile_overlayer_lowered:
.L_overlay_start_2:
0x57: {  	(tag) =	ssettag $0x2  }
0x58: {  	s0 =	rddreg [dreg:$0x0];
	s2 =	stileid.u32  }
0x59: {  	s1 =	rddreg [dreg:$0x1];
	p0 =	sne.s32 s2, $0x0  }
0x5a: {  	s3 =	rddreg [dreg:$0x2];
	[bflag:$0x3] =	sbarrier.arrive $0xFFFF;
	s2 =	simm.s32 @!p0 $0x1C03  }
0x5b: {  	[timem:s3], [sflag:s2] =	dma.local @!p0 [hbm:s0], s1  }
0x5c: {  	s0 =	simm.s32 @!p0 $0x3  }
0x5d: {  	_ =	swait.ge @!p0 [sflag:s0], s1  }
0x5e: {  	s1 =	ssub.s32 @!p0 $0x0, s1;
	[sflag:s0] =	ssyncset.done @!p0 $0x0  }
0x5f: {  	[sflag:s0] =	ssyncadd.s32 @!p0 s1  }
0x60: {  	[bflag:$0x3] =	sbarrier.arrive $0xFFFF  }
0x61: {  	_ =	shalt  }

</sc_bundles>
